<compile_context>
chip_gen: v7x
topology: tpu7x:2x2x1
jax: 0.10.2.dev20260603
libtpu: 0.0.44.dev20260713+nightly
codegen_flags: <defaults>
</compile_context>

<pallas_src>
import functools

import jax
import jax.numpy as jnp
import numpy as np
from jax import lax
from jax.experimental import pallas as pl
from jax.experimental.pallas import tpu as pltpu
from jax.experimental.pallas import tpu_sc as plsc

N = 10000
E = 320000
B = 100
D_NODE = 128
D_MSG = 64
N_RADIAL = 32
CUTOFF = 6.0

NW = 32
CH = 128
CPW = 80
E_PAD = NW * CPW * CH
N_PAD = 10240
ROWS_PER_TILE = N_PAD // 16

_MESH = plsc.VectorSubcoreMesh(core_axis_name="c", subcore_axis_name="s")
_SC_PARAMS = pltpu.CompilerParams(use_tc_tiling_on_sc=False)


def _zero_buf(buf):
    @pl.loop(0, CH)
    def _(r):
        for c in range(4):
            buf[r, pl.ds(c * 16, 16)] = jnp.zeros((16,), jnp.float32)


def _sc_gather_body(pos_hbm, srcm, dstm, outs, outd, srcv, dstv, bufs, bufd, sems, semd):
    cid = lax.axis_index("c")
    sid = lax.axis_index("s")
    wid = cid * 16 + sid
    pltpu.sync_copy(srcm.at[pl.ds(wid * CPW, CPW)], srcv)
    pltpu.sync_copy(dstm.at[pl.ds(wid * CPW, CPW)], dstv)
    base = wid * CPW * CH

    @pl.loop(0, CPW)
    def _(j):
        pltpu.async_copy(pos_hbm.at[srcv.at[j]], bufs, sems)
        pltpu.async_copy(pos_hbm.at[dstv.at[j]], bufd, semd)
        pltpu.make_async_copy(pos_hbm.at[srcv.at[j]], bufs, sems).wait()
        pltpu.make_async_copy(pos_hbm.at[dstv.at[j]], bufd, semd).wait()
        pltpu.sync_copy(bufs, outs.at[pl.ds(base + j * CH, CH)])
        pltpu.sync_copy(bufd, outd.at[pl.ds(base + j * CH, CH)])


@jax.jit
def _sc_gather_pos(pos16, srcm, dstm):
    f = pl.kernel(
        _sc_gather_body,
        out_type=(
            jax.ShapeDtypeStruct((E_PAD, 16), jnp.float32),
            jax.ShapeDtypeStruct((E_PAD, 16), jnp.float32),
        ),
        mesh=_MESH,
        scratch_types=[
            pltpu.VMEM((CPW, CH), jnp.int32),
            pltpu.VMEM((CPW, CH), jnp.int32),
            pltpu.VMEM((CH, 16), jnp.float32),
            pltpu.VMEM((CH, 16), jnp.float32),
            pltpu.SemaphoreType.DMA,
            pltpu.SemaphoreType.DMA,
        ],
        compiler_params=_SC_PARAMS,
    )
    return f(pos16, srcm, dstm)


def _sc_conv_body(hm, coeff, srcm, dstm, out, srcv, dstv, g0, g1, c0, c1, acc,
                  gs0, gs1, cs0, cs1):
    cid = lax.axis_index("c")
    sid = lax.axis_index("s")
    wid = cid * 16 + sid
    gbufs = (g0, g1)
    cbufs = (c0, c1)
    gsems = (gs0, gs1)
    csems = (cs0, cs1)

    _zero_buf(g0)
    for k in range(ROWS_PER_TILE // CH):
        pltpu.sync_copy(g0, acc.at[pl.ds(sid * ROWS_PER_TILE + k * CH, CH)])
    plsc.subcore_barrier()

    pltpu.sync_copy(srcm.at[pl.ds(wid * CPW, CPW)], srcv)
    pltpu.sync_copy(dstm.at[pl.ds(wid * CPW, CPW)], dstv)
    ebase = wid * CPW * CH

    def issue(jj, b):
        pltpu.async_copy(hm.at[srcv.at[jj]], gbufs[b], gsems[b])
        pltpu.async_copy(coeff.at[pl.ds(ebase + jj * CH, CH)], cbufs[b], csems[b])

    issue(0, 0)

    @pl.loop(0, CPW, step=2)
    def _(j):
        for b in range(2):
            jj = j + b
            nb = (b + 1) % 2

            @pl.when(jj + 1 < CPW)
            def _():
                issue(jj + 1, nb)

            pltpu.make_async_copy(hm.at[srcv.at[jj]], gbufs[b], gsems[b]).wait()
            pltpu.make_async_copy(coeff.at[pl.ds(ebase + jj * CH, CH)], cbufs[b],
                                  csems[b]).wait()

            gb = gbufs[b]
            cb = cbufs[b]

            @pl.loop(0, CH)
            def _(r):
                for c in range(4):
                    sl = pl.ds(c * 16, 16)
                    gb[r, sl] = gb[r, sl] * cb[r, sl]

            pltpu.sync_copy(gb, acc.at[dstv.at[jj]], add=True)

    plsc.subcore_barrier()
    pltpu.sync_copy(acc.at[pl.ds(sid * ROWS_PER_TILE, ROWS_PER_TILE)],
                    out.at[cid, pl.ds(sid * ROWS_PER_TILE, ROWS_PER_TILE)])


@jax.jit
def _sc_conv(hm, coeff, srcm, dstm):
    f = pl.kernel(
        _sc_conv_body,
        out_type=jax.ShapeDtypeStruct((2, N_PAD, D_MSG), jnp.float32),
        mesh=_MESH,
        scratch_types=[
            pltpu.VMEM((CPW, CH), jnp.int32),
            pltpu.VMEM((CPW, CH), jnp.int32),
            pltpu.VMEM((CH, D_MSG), jnp.float32),
            pltpu.VMEM((CH, D_MSG), jnp.float32),
            pltpu.VMEM((CH, D_MSG), jnp.float32),
            pltpu.VMEM((CH, D_MSG), jnp.float32),
            pltpu.VMEM_SHARED((N_PAD, D_MSG), jnp.float32),
            pltpu.SemaphoreType.DMA,
            pltpu.SemaphoreType.DMA,
            pltpu.SemaphoreType.DMA,
            pltpu.SemaphoreType.DMA,
        ],
        compiler_params=_SC_PARAMS,
    )
    return f(hm, coeff, srcm, dstm)


_EB = 2048
_GAMMA = (N_RADIAL / CUTOFF) ** 2


def _geom_kernel(ps_ref, pd_ref, wr_ref, c0_ref, c1_ref):
    i = pl.program_id(0)
    diff = ps_ref[...] - pd_ref[...]
    ones_b = jnp.full((16, N_RADIAL), 1.0, jnp.float32)
    d2b = jnp.dot(diff * diff, ones_b, preferred_element_type=jnp.float32)
    db = jnp.sqrt(d2b + 1e-8)
    cen = lax.broadcasted_iota(jnp.int32, (1, N_RADIAL), 1).astype(jnp.float32) * (
        CUTOFF / (N_RADIAL - 1))
    rbf = jnp.exp(-_GAMMA * (db - cen) ** 2)
    t = jnp.clip(db * (1.0 / CUTOFF), 0.0, 1.0)
    xx = jnp.float32(np.pi) * (t - 0.5)
    s2 = xx * xx
    p = jnp.float32(-1.0 / 39916800.0)
    p = p * s2 + jnp.float32(1.0 / 362880.0)
    p = p * s2 + jnp.float32(-1.0 / 5040.0)
    p = p * s2 + jnp.float32(1.0 / 120.0)
    p = p * s2 + jnp.float32(-1.0 / 6.0)
    p = p * s2 + jnp.float32(1.0)
    env = 0.5 * (1.0 - xx * p)
    row = lax.broadcasted_iota(jnp.int32, (_EB, N_RADIAL), 0)
    env = jnp.where(i * _EB + row < E, env, 0.0)
    rbe = rbf * env
    c0_ref[...] = jnp.dot(rbe, wr_ref[0], preferred_element_type=jnp.float32)
    c1_ref[...] = jnp.dot(rbe, wr_ref[1], preferred_element_type=jnp.float32)


@jax.jit
def _tc_geom(pos_s, pos_d, W_rbf):
    grid = (E_PAD // _EB,)
    return pl.pallas_call(
        _geom_kernel,
        grid=grid,
        in_specs=[
            pl.BlockSpec((_EB, 16), lambda i: (i, 0)),
            pl.BlockSpec((_EB, 16), lambda i: (i, 0)),
            pl.BlockSpec((2, N_RADIAL, D_MSG), lambda i: (0, 0, 0)),
        ],
        out_specs=[
            pl.BlockSpec((_EB, D_MSG), lambda i: (i, 0)),
            pl.BlockSpec((_EB, D_MSG), lambda i: (i, 0)),
        ],
        out_shape=[
            jax.ShapeDtypeStruct((E_PAD, D_MSG), jnp.float32),
            jax.ShapeDtypeStruct((E_PAD, D_MSG), jnp.float32),
        ],
    )(pos_s, pos_d, W_rbf)


_NB = 512


def _embed_kernel(x_ref, b_ref, mol_ref, wx_ref, wm_ref, be_ref, wmsg_ref,
                  h_ref, hm_ref):
    mb = jnp.dot(mol_ref[...], wm_ref[...], preferred_element_type=jnp.float32)
    col = lax.broadcasted_iota(jnp.int32, (_NB, 128), 1)
    oh = (b_ref[...] == col).astype(jnp.float32)
    h = x_ref[...] @ wx_ref[...] + jnp.dot(oh, mb, preferred_element_type=jnp.float32)
    h = jax.nn.gelu(h + be_ref[...])
    h_ref[...] = h
    hm_ref[...] = jnp.dot(h, wmsg_ref[...], preferred_element_type=jnp.float32)


@jax.jit
def _tc_embed(x_pad, batch_pad, mol_pad, W_x, W_m, b_embed, W_msg0):
    grid = (N_PAD // _NB,)
    return pl.pallas_call(
        _embed_kernel,
        grid=grid,
        in_specs=[
            pl.BlockSpec((_NB, 128), lambda i: (i, 0)),
            pl.BlockSpec((_NB, 1), lambda i: (i, 0)),
            pl.BlockSpec((128, 32), lambda i: (0, 0)),
            pl.BlockSpec((128, 128), lambda i: (0, 0)),
            pl.BlockSpec((32, 128), lambda i: (0, 0)),
            pl.BlockSpec((1, 128), lambda i: (0, 0)),
            pl.BlockSpec((128, 64), lambda i: (0, 0)),
        ],
        out_specs=[
            pl.BlockSpec((_NB, 128), lambda i: (i, 0)),
            pl.BlockSpec((_NB, 64), lambda i: (i, 0)),
        ],
        out_shape=[
            jax.ShapeDtypeStruct((N_PAD, 128), jnp.float32),
            jax.ShapeDtypeStruct((N_PAD, 64), jnp.float32),
        ],
    )(x_pad, batch_pad, mol_pad, W_x, W_m, b_embed, W_msg0)


def _upd_kernel(p0_ref, p1_ref, h_ref, wu_ref, ws_ref, wmsg_ref, ho_ref, hm_ref):
    agg = p0_ref[...] + p1_ref[...]
    h = h_ref[...]
    upd = jnp.dot(agg, wu_ref[...], preferred_element_type=jnp.float32)
    slf = jnp.dot(h, ws_ref[...], preferred_element_type=jnp.float32)
    hn = h + jax.nn.gelu(upd + slf)
    ho_ref[...] = hn
    hm_ref[...] = jnp.dot(hn, wmsg_ref[...], preferred_element_type=jnp.float32)


@jax.jit
def _tc_upd(p0, p1, h, W_upd_l, W_self_l, W_msg_next):
    grid = (N_PAD // _NB,)
    return pl.pallas_call(
        _upd_kernel,
        grid=grid,
        in_specs=[
            pl.BlockSpec((_NB, 64), lambda i: (i, 0)),
            pl.BlockSpec((_NB, 64), lambda i: (i, 0)),
            pl.BlockSpec((_NB, 128), lambda i: (i, 0)),
            pl.BlockSpec((64, 128), lambda i: (0, 0)),
            pl.BlockSpec((128, 128), lambda i: (0, 0)),
            pl.BlockSpec((128, 64), lambda i: (0, 0)),
        ],
        out_specs=[
            pl.BlockSpec((_NB, 128), lambda i: (i, 0)),
            pl.BlockSpec((_NB, 64), lambda i: (i, 0)),
        ],
        out_shape=[
            jax.ShapeDtypeStruct((N_PAD, 128), jnp.float32),
            jax.ShapeDtypeStruct((N_PAD, 64), jnp.float32),
        ],
    )(p0, p1, h, W_upd_l, W_self_l, W_msg_next)


def _final_kernel(p0_ref, p1_ref, h_ref, wu_ref, ws_ref, b_ref, gs_ref, cn_ref):
    i = pl.program_id(0)

    @pl.when(i == 0)
    def _():
        gs_ref[...] = jnp.zeros_like(gs_ref)
        cn_ref[...] = jnp.zeros_like(cn_ref)

    agg = p0_ref[...] + p1_ref[...]
    h = h_ref[...]
    upd = jnp.dot(agg, wu_ref[...], preferred_element_type=jnp.float32)
    slf = jnp.dot(h, ws_ref[...], preferred_element_type=jnp.float32)
    hn = h + jax.nn.gelu(upd + slf)
    col = lax.broadcasted_iota(jnp.int32, (_NB, 128), 1)
    oh = (b_ref[...] == col).astype(jnp.float32)
    dn = (((0,), (0,)), ((), ()))
    gs_ref[...] += lax.dot_general(oh, hn, dn, preferred_element_type=jnp.float32)
    ones = jnp.ones((_NB, 128), jnp.float32)
    cn_ref[...] += lax.dot_general(oh, ones, dn, preferred_element_type=jnp.float32)


@jax.jit
def _tc_final(p0, p1, h, W_upd_l, W_self_l, batch_pad):
    grid = (N_PAD // _NB,)
    return pl.pallas_call(
        _final_kernel,
        grid=grid,
        in_specs=[
            pl.BlockSpec((_NB, 64), lambda i: (i, 0)),
            pl.BlockSpec((_NB, 64), lambda i: (i, 0)),
            pl.BlockSpec((_NB, 128), lambda i: (i, 0)),
            pl.BlockSpec((64, 128), lambda i: (0, 0)),
            pl.BlockSpec((128, 128), lambda i: (0, 0)),
            pl.BlockSpec((_NB, 1), lambda i: (i, 0)),
        ],
        out_specs=[
            pl.BlockSpec((128, 128), lambda i: (0, 0)),
            pl.BlockSpec((128, 128), lambda i: (0, 0)),
        ],
        out_shape=[
            jax.ShapeDtypeStruct((128, 128), jnp.float32),
            jax.ShapeDtypeStruct((128, 128), jnp.float32),
        ],
    )(p0, p1, h, W_upd_l, W_self_l, batch_pad)


def _head_kernel(gs_ref, cn_ref, mol_ref, w1a_ref, w1b_ref, b1_ref, w2_ref,
                 b2_ref, wo_ref, bo_ref, o_ref):
    g = gs_ref[...] / jnp.maximum(cn_ref[...], 1.0)
    z = jnp.dot(g, w1a_ref[...], preferred_element_type=jnp.float32)
    z = z + jnp.dot(mol_ref[...], w1b_ref[...], preferred_element_type=jnp.float32)
    z = jax.nn.gelu(z + b1_ref[...])
    z = jax.nn.gelu(jnp.dot(z, w2_ref[...], preferred_element_type=jnp.float32) + b2_ref[...])
    a = jnp.dot(z, wo_ref[...], preferred_element_type=jnp.float32) + bo_ref[...]
    col = lax.broadcasted_iota(jnp.int32, a.shape, 1)
    o_ref[...] = jnp.where(col == 2, jax.nn.softplus(a), a)


@jax.jit
def _tc_head(gsum, cntm, mol_pad, W1a, W1b, b_fc1, W_fc2, b_fc2, W_outp, b_outp):
    return pl.pallas_call(
        _head_kernel,
        out_shape=jax.ShapeDtypeStruct((128, 128), jnp.float32),
    )(gsum, cntm, mol_pad, W1a, W1b, b_fc1.reshape(1, 128), W_fc2,
      b_fc2.reshape(1, 128), W_outp, b_outp.reshape(1, 128))


def kernel(x, pos, edge_index, mol_x, batch, W_embed, b_embed, W_msg, W_rbf,
           W_upd, W_self, W_fc1, b_fc1, W_fc2, b_fc2, W_out, b_out):
    f32 = jnp.float32
    src = edge_index[0].astype(jnp.int32)
    dst = edge_index[1].astype(jnp.int32)
    srcm = jnp.zeros((E_PAD,), jnp.int32).at[:E].set(src).reshape(E_PAD // CH, CH)
    dstm = jnp.zeros((E_PAD,), jnp.int32).at[:E].set(dst).reshape(E_PAD // CH, CH)
    pos16 = jnp.zeros((N, 16), f32).at[:, :3].set(pos.astype(f32))

    pos_s, pos_d = _sc_gather_pos(pos16, srcm, dstm)
    coeff0, coeff1 = _tc_geom(pos_s, pos_d, W_rbf)

    x_pad = jnp.zeros((N_PAD, 128), f32).at[:N].set(x)
    batch_pad = jnp.full((N_PAD, 1), B, jnp.int32).at[:N, 0].set(batch)
    mol_pad = jnp.zeros((128, 32), f32).at[:B].set(mol_x)

    h0, hm0 = _tc_embed(x_pad, batch_pad, mol_pad, W_embed[:128], W_embed[128:],
                        b_embed.reshape(1, 128), W_msg[0])
    parts0 = _sc_conv(hm0, coeff0, srcm, dstm)
    h1, hm1 = _tc_upd(parts0[0], parts0[1], h0, W_upd[0], W_self[0], W_msg[1])
    parts1 = _sc_conv(hm1, coeff1, srcm, dstm)
    gsum, cntm = _tc_final(parts1[0], parts1[1], h1, W_upd[1], W_self[1], batch_pad)

    W_outp = jnp.zeros((128, 128), f32).at[:, :3].set(W_out)
    b_outp = jnp.zeros((128,), f32).at[:3].set(b_out)
    out = _tc_head(gsum, cntm, mol_pad, W_fc1[:128], W_fc1[128:], b_fc1,
                   W_fc2, b_fc2, W_outp, b_outp)
    return out[:B, :3]

# --- scband reference (transcript-rebuilt; emitter-appended) ---
"""Pipeline reference for scband-crystal-discriminator-30889404793427 (READ-ONLY COPY).

The authoritative reference and input builder live on the scoring server;
editing this copy changes nothing except your own understanding.
"""

import jax, jax.numpy as jnp
import numpy as np

N = 10000
E = 320000
B = 100
D_ATOM = 128
D_MOL = 32
D_NODE = 128
D_MSG = 64
N_RADIAL = 32
N_CONV = 2
D_FC = 128
CUTOFF = 6.0


def setup_inputs(seed: int = 0) -> dict:
    key = jax.random.key(seed)
    ks = jax.random.split(key, 18)
    x = jax.random.normal(ks[0], (N, D_ATOM), dtype=jnp.float32)
    pos = jax.random.normal(ks[1], (N, 3), dtype=jnp.float32) * 3.0
    edge_index = jax.random.randint(ks[2], (2, E), 0, N, dtype=jnp.int64 if jax.config.jax_enable_x64 else jnp.int32)
    mol_x = jax.random.normal(ks[3], (B, D_MOL), dtype=jnp.float32)
    batch = jnp.sort(jax.random.randint(ks[4], (N,), 0, B, dtype=jnp.int32))
    s = 0.05
    W_embed = jax.random.normal(ks[5], (D_ATOM + D_MOL, D_NODE), dtype=jnp.float32) * s
    b_embed = jnp.zeros((D_NODE,), dtype=jnp.float32)
    W_msg = jax.random.normal(ks[6], (N_CONV, D_NODE, D_MSG), dtype=jnp.float32) * s
    W_rbf = jax.random.normal(ks[7], (N_CONV, N_RADIAL, D_MSG), dtype=jnp.float32) * s
    W_upd = jax.random.normal(ks[8], (N_CONV, D_MSG, D_NODE), dtype=jnp.float32) * s
    W_self = jax.random.normal(ks[9], (N_CONV, D_NODE, D_NODE), dtype=jnp.float32) * s
    W_fc1 = jax.random.normal(ks[10], (D_NODE + D_MOL, D_FC), dtype=jnp.float32) * s
    b_fc1 = jnp.zeros((D_FC,), dtype=jnp.float32)
    W_fc2 = jax.random.normal(ks[11], (D_FC, D_FC), dtype=jnp.float32) * s
    b_fc2 = jnp.zeros((D_FC,), dtype=jnp.float32)
    W_out = jax.random.normal(ks[12], (D_FC, 3), dtype=jnp.float32) * s
    b_out = jnp.zeros((3,), dtype=jnp.float32)
    return {"x": x, "pos": pos, "edge_index": edge_index, "mol_x": mol_x, "batch": batch,
            "W_embed": W_embed, "b_embed": b_embed, "W_msg": W_msg, "W_rbf": W_rbf,
            "W_upd": W_upd, "W_self": W_self, "W_fc1": W_fc1, "b_fc1": b_fc1,
            "W_fc2": W_fc2, "b_fc2": b_fc2, "W_out": W_out, "b_out": b_out}


def reference(x, pos, edge_index, mol_x, batch, W_embed, b_embed, W_msg, W_rbf,
              W_upd, W_self, W_fc1, b_fc1, W_fc2, b_fc2, W_out, b_out):
    src = edge_index[0]
    dst = edge_index[1]
    # concat_mol_to_atom_features: broadcast per-molecule feats to atoms (gather)
    h = jnp.concatenate([x, jnp.take(mol_x, batch, axis=0)], axis=1)
    h = jax.nn.gelu(h @ W_embed + b_embed)
    # gaussian radial basis of periodic-image distances
    diff = jnp.take(pos, src, axis=0) - jnp.take(pos, dst, axis=0)
    d = jnp.sqrt(jnp.sum(diff * diff, axis=1) + 1e-8)
    centers = jnp.linspace(0.0, CUTOFF, N_RADIAL)
    gamma = (N_RADIAL / CUTOFF) ** 2
    rbf = jnp.exp(-gamma * (d[:, None] - centers[None, :]) ** 2)
    envelope = 0.5 * (jnp.cos(jnp.pi * jnp.clip(d / CUTOFF, 0.0, 1.0)) + 1.0)
    for l in range(N_CONV):
        m = (jnp.take(h, src, axis=0) @ W_msg[l]) * (rbf @ W_rbf[l]) * envelope[:, None]
        agg = jax.ops.segment_sum(m, dst, num_segments=N)
        h = h + jax.nn.gelu(agg @ W_upd[l] + h @ W_self[l])
    # graph aggregator: mean over atoms per crystal
    g_sum = jax.ops.segment_sum(h, batch, num_segments=B)
    cnt = jax.ops.segment_sum(jnp.ones((N, 1), dtype=h.dtype), batch, num_segments=B)
    g = g_sum / jnp.maximum(cnt, 1.0)
    z = jnp.concatenate([g, mol_x], axis=1)
    z = jax.nn.gelu(z @ W_fc1 + b_fc1)
    z = jax.nn.gelu(z @ W_fc2 + b_fc2)
    out = z @ W_out + b_out
    # discriminator head: softplus rescaling of last (distance) channel
    out = jnp.concatenate([out[:, :2], jax.nn.softplus(out[:, -1:])], axis=1)
    return out

if __name__ == "__main__":
    import jax
    _d = setup_inputs()
    print(jax.jit(kernel)(*tuple(_d.values())))

</pallas_src>

<mosaic_0001>
#map = affine_map<(d0, d1) -> (0, 0)>
module attributes {stable_mosaic.version = 14 : i64} {
  func.func @_sc_gather_body(%arg0: i32, %arg1: i32, %arg2: memref<10000x16xf32, #tpu.memory_space<hbm>>, %arg3: memref<2560x128xi32, #tpu.memory_space<hbm>>, %arg4: memref<2560x128xi32, #tpu.memory_space<hbm>>, %arg5: memref<327680x16xf32, #tpu.memory_space<hbm>>, %arg6: memref<327680x16xf32, #tpu.memory_space<hbm>>, %arg7: memref<80x128xi32, #tpu.memory_space<vmem>>, %arg8: memref<80x128xi32, #tpu.memory_space<vmem>>, %arg9: memref<128x16xf32, #tpu.memory_space<vmem>>, %arg10: memref<128x16xf32, #tpu.memory_space<vmem>>, %arg11: memref<!tpu.dma_semaphore, #tpu.memory_space<semaphore_mem>>, %arg12: memref<!tpu.dma_semaphore, #tpu.memory_space<semaphore_mem>>) attributes {dimension_semantics = [#tpu.dimension_semantics<core_parallel>, #tpu.dimension_semantics<subcore_parallel>], iteration_bounds = array<i64: 2, 16>, scalar_prefetch = 0 : i64, scratch_operands = 6 : i64, tpu.core_type = #tpu.core_type<sc_vector_subcore>, window_params = [{transform_indices = #map}, {transform_indices = #map}, {transform_indices = #map}, {transform_indices = #map}, {transform_indices = #map}]} {
    %mul3A = arith.constant 16 : i32
    %mul3A_0 = arith.muli %arg0, %mul3A : i32
    %add3A = arith.addi %mul3A_0, %arg1 : i32
    %mul3A_1 = arith.constant 80 : i32
    %mul3A_2 = arith.muli %add3A, %mul3A_1 : i32
    "tpu.region"() ({
      %run_scoped3A = tpu.sem_alloc : memref<!tpu.dma_semaphore, #tpu.memory_space<semaphore_mem>>
      %dma_start3A = arith.constant 0 : i32
      %dma_start3A_13 = tpu.memref_slice %arg3[%mul3A_2, %dma_start3A] : memref<2560x128xi32, #tpu.memory_space<hbm>> -> memref<80x128xi32, #tpu.memory_space<hbm>>
      %dma_start3A_14 = arith.constant 0 : i32
      %dma_start3A_15 = tpu.memref_slice %arg3[%mul3A_2, %dma_start3A_14] : memref<2560x128xi32, #tpu.memory_space<hbm>> -> memref<80x128xi32, #tpu.memory_space<hbm>>
      tpu.enqueue_dma source(%dma_start3A_15 : memref<80x128xi32, #tpu.memory_space<hbm>>) target(%arg7 : memref<80x128xi32, #tpu.memory_space<vmem>>) target_semaphore(%run_scoped3A : memref<!tpu.dma_semaphore, #tpu.memory_space<semaphore_mem>>)
      %dma_wait3A = arith.constant 0 : i32
      %dma_wait3A_16 = tpu.memref_slice %arg3[%mul3A_2, %dma_wait3A] : memref<2560x128xi32, #tpu.memory_space<hbm>> -> memref<80x128xi32, #tpu.memory_space<hbm>>
      %dma_wait3A_17 = arith.constant 0 : i32
      %dma_wait3A_18 = tpu.memref_slice %arg3[%mul3A_2, %dma_wait3A_17] : memref<2560x128xi32, #tpu.memory_space<hbm>> -> memref<80x128xi32, #tpu.memory_space<hbm>>
      tpu.wait_dma2 semaphore(%run_scoped3A : memref<!tpu.dma_semaphore, #tpu.memory_space<semaphore_mem>>) src(%dma_wait3A_18 : memref<80x128xi32, #tpu.memory_space<hbm>>) dst(%arg7 : memref<80x128xi32, #tpu.memory_space<vmem>>)
      tpu.yield
    }) : () -> ()
    %mul3A_3 = arith.constant 80 : i32
    %mul3A_4 = arith.muli %add3A, %mul3A_3 : i32
    "tpu.region"() ({
      %run_scoped3A = tpu.sem_alloc : memref<!tpu.dma_semaphore, #tpu.memory_space<semaphore_mem>>
      %dma_start3A = arith.constant 0 : i32
      %dma_start3A_13 = tpu.memref_slice %arg4[%mul3A_4, %dma_start3A] : memref<2560x128xi32, #tpu.memory_space<hbm>> -> memref<80x128xi32, #tpu.memory_space<hbm>>
      %dma_start3A_14 = arith.constant 0 : i32
      %dma_start3A_15 = tpu.memref_slice %arg4[%mul3A_4, %dma_start3A_14] : memref<2560x128xi32, #tpu.memory_space<hbm>> -> memref<80x128xi32, #tpu.memory_space<hbm>>
      tpu.enqueue_dma source(%dma_start3A_15 : memref<80x128xi32, #tpu.memory_space<hbm>>) target(%arg8 : memref<80x128xi32, #tpu.memory_space<vmem>>) target_semaphore(%run_scoped3A : memref<!tpu.dma_semaphore, #tpu.memory_space<semaphore_mem>>)
      %dma_wait3A = arith.constant 0 : i32
      %dma_wait3A_16 = tpu.memref_slice %arg4[%mul3A_4, %dma_wait3A] : memref<2560x128xi32, #tpu.memory_space<hbm>> -> memref<80x128xi32, #tpu.memory_space<hbm>>
      %dma_wait3A_17 = arith.constant 0 : i32
      %dma_wait3A_18 = tpu.memref_slice %arg4[%mul3A_4, %dma_wait3A_17] : memref<2560x128xi32, #tpu.memory_space<hbm>> -> memref<80x128xi32, #tpu.memory_space<hbm>>
      tpu.wait_dma2 semaphore(%run_scoped3A : memref<!tpu.dma_semaphore, #tpu.memory_space<semaphore_mem>>) src(%dma_wait3A_18 : memref<80x128xi32, #tpu.memory_space<hbm>>) dst(%arg8 : memref<80x128xi32, #tpu.memory_space<vmem>>)
      tpu.yield
    }) : () -> ()
    %mul3A_5 = arith.constant 80 : i32
    %mul3A_6 = arith.muli %add3A, %mul3A_5 : i32
    %mul3A_7 = arith.constant 128 : i32
    %mul3A_8 = arith.muli %mul3A_6, %mul3A_7 : i32
    %scan3A = arith.constant 0 : i32
    %scan3A_9 = arith.constant 80 : i32
    %scan3A_10 = arith.addi %scan3A, %scan3A_9 : i32
    %scan3A_11 = arith.constant 1 : i32
    scf.for %scan3A_13 = %scan3A to %scan3A_10 step %scan3A_11  : i32 {
      %mul3A_14 = arith.constant 1 : i32
      %mul3A_15 = arith.muli %scan3A_13, %mul3A_14 : i32
      %add3A_16 = arith.constant 0 : i32
      %add3A_17 = arith.addi %add3A_16, %mul3A_15 : i32
      %dma_start3A = arith.constant 0 : i32
      %dma_start3A_18 = tpu.memref_slice %arg7[%add3A_17, %dma_start3A] : memref<80x128xi32, #tpu.memory_space<vmem>> -> memref<1x128xi32, #tpu.memory_space<vmem>>
      %dma_start3A_19 = tpu.memref_squeeze %dma_start3A_18 : memref<1x128xi32, #tpu.memory_space<vmem>> -> memref<128xi32, #tpu.memory_space<vmem>>
      %dma_start3A_20 = arith.constant 0 : i32
      %dma_start3A_21 = arith.constant 0 : i32
      %dma_start3A_22 = tpu.memref_slice %arg2[%dma_start3A_20, %dma_start3A_21] : memref<10000x16xf32, #tpu.memory_space<hbm>> -> memref<10000x16xf32, #tpu.memory_space<hbm>>
      tpu.enqueue_indirect_dma source(%dma_start3A_22 : memref<10000x16xf32, #tpu.memory_space<hbm>>) target(%arg9 : memref<128x16xf32, #tpu.memory_space<vmem>>) offsets(%dma_start3A_19 : memref<128xi32, #tpu.memory_space<vmem>>) semaphore(%arg11 : memref<!tpu.dma_semaphore, #tpu.memory_space<semaphore_mem>>)
      %dma_start3A_23 = arith.constant 0 : i32
      %dma_start3A_24 = tpu.memref_slice %arg8[%add3A_17, %dma_start3A_23] : memref<80x128xi32, #tpu.memory_space<vmem>> -> memref<1x128xi32, #tpu.memory_space<vmem>>
      %dma_start3A_25 = tpu.memref_squeeze %dma_start3A_24 : memref<1x128xi32, #tpu.memory_space<vmem>> -> memref<128xi32, #tpu.memory_space<vmem>>
      %dma_start3A_26 = arith.constant 0 : i32
      %dma_start3A_27 = arith.constant 0 : i32
      %dma_start3A_28 = tpu.memref_slice %arg2[%dma_start3A_26, %dma_start3A_27] : memref<10000x16xf32, #tpu.memory_space<hbm>> -> memref<10000x16xf32, #tpu.memory_space<hbm>>
      tpu.enqueue_indirect_dma source(%dma_start3A_28 : memref<10000x16xf32, #tpu.memory_space<hbm>>) target(%arg10 : memref<128x16xf32, #tpu.memory_space<vmem>>) offsets(%dma_start3A_25 : memref<128xi32, #tpu.memory_space<vmem>>) semaphore(%arg12 : memref<!tpu.dma_semaphore, #tpu.memory_space<semaphore_mem>>)
      %dma_wait3A = arith.constant 0 : i32
      %dma_wait3A_29 = tpu.memref_slice %arg7[%add3A_17, %dma_wait3A] : memref<80x128xi32, #tpu.memory_space<vmem>> -> memref<1x128xi32, #tpu.memory_space<vmem>>
      %dma_wait3A_30 = tpu.memref_squeeze %dma_wait3A_29 : memref<1x128xi32, #tpu.memory_space<vmem>> -> memref<128xi32, #tpu.memory_space<vmem>>
      %dma_wait3A_31 = arith.constant 0 : i32
      %dma_wait3A_32 = arith.constant 0 : i32
      %dma_wait3A_33 = tpu.memref_slice %arg2[%dma_wait3A_31, %dma_wait3A_32] : memref<10000x16xf32, #tpu.memory_space<hbm>> -> memref<10000x16xf32, #tpu.memory_space<hbm>>
      tpu.wait_indirect_dma semaphore(%arg11 : memref<!tpu.dma_semaphore, #tpu.memory_space<semaphore_mem>>) src(%dma_wait3A_33 : memref<10000x16xf32, #tpu.memory_space<hbm>>) dst(%arg9 : memref<128x16xf32, #tpu.memory_space<vmem>>)
      %dma_wait3A_34 = arith.constant 0 : i32
      %dma_wait3A_35 = tpu.memref_slice %arg8[%add3A_17, %dma_wait3A_34] : memref<80x128xi32, #tpu.memory_space<vmem>> -> memref<1x128xi32, #tpu.memory_space<vmem>>
      %dma_wait3A_36 = tpu.memref_squeeze %dma_wait3A_35 : memref<1x128xi32, #tpu.memory_space<vmem>> -> memref<128xi32, #tpu.memory_space<vmem>>
      %dma_wait3A_37 = arith.constant 0 : i32
      %dma_wait3A_38 = arith.constant 0 : i32
      %dma_wait3A_39 = tpu.memref_slice %arg2[%dma_wait3A_37, %dma_wait3A_38] : memref<10000x16xf32, #tpu.memory_space<hbm>> -> memref<10000x16xf32, #tpu.memory_space<hbm>>
      tpu.wait_indirect_dma semaphore(%arg12 : memref<!tpu.dma_semaphore, #tpu.memory_space<semaphore_mem>>) src(%dma_wait3A_39 : memref<10000x16xf32, #tpu.memory_space<hbm>>) dst(%arg10 : memref<128x16xf32, #tpu.memory_space<vmem>>)
      %mul3A_40 = arith.constant 128 : i32
      %mul3A_41 = arith.muli %add3A_17, %mul3A_40 : i32
      %add3A_42 = arith.addi %mul3A_8, %mul3A_41 : i32
      "tpu.region"() ({
        %run_scoped3A = tpu.sem_alloc : memref<!tpu.dma_semaphore, #tpu.memory_space<semaphore_mem>>
        %dma_start3A_46 = arith.constant 0 : i32
        %dma_start3A_47 = tpu.memref_slice %arg5[%add3A_42, %dma_start3A_46] : memref<327680x16xf32, #tpu.memory_space<hbm>> -> memref<128x16xf32, #tpu.memory_space<hbm>>
        %dma_start3A_48 = arith.constant 0 : i32
        %dma_start3A_49 = tpu.memref_slice %arg5[%add3A_42, %dma_start3A_48] : memref<327680x16xf32, #tpu.memory_space<hbm>> -> memref<128x16xf32, #tpu.memory_space<hbm>>
        tpu.enqueue_dma source(%arg9 : memref<128x16xf32, #tpu.memory_space<vmem>>) target(%dma_start3A_49 : memref<128x16xf32, #tpu.memory_space<hbm>>) target_semaphore(%run_scoped3A : memref<!tpu.dma_semaphore, #tpu.memory_space<semaphore_mem>>)
        %dma_wait3A_50 = arith.constant 0 : i32
        %dma_wait3A_51 = tpu.memref_slice %arg5[%add3A_42, %dma_wait3A_50] : memref<327680x16xf32, #tpu.memory_space<hbm>> -> memref<128x16xf32, #tpu.memory_space<hbm>>
        %dma_wait3A_52 = arith.constant 0 : i32
        %dma_wait3A_53 = tpu.memref_slice %arg5[%add3A_42, %dma_wait3A_52] : memref<327680x16xf32, #tpu.memory_space<hbm>> -> memref<128x16xf32, #tpu.memory_space<hbm>>
        tpu.wait_dma2 semaphore(%run_scoped3A : memref<!tpu.dma_semaphore, #tpu.memory_space<semaphore_mem>>) src(%arg9 : memref<128x16xf32, #tpu.memory_space<vmem>>) dst(%dma_wait3A_53 : memref<128x16xf32, #tpu.memory_space<hbm>>)
        tpu.yield
      }) : () -> ()
      %mul3A_43 = arith.constant 128 : i32
      %mul3A_44 = arith.muli %add3A_17, %mul3A_43 : i32
      %add3A_45 = arith.addi %mul3A_8, %mul3A_44 : i32
      "tpu.region"() ({
        %run_scoped3A = tpu.sem_alloc : memref<!tpu.dma_semaphore, #tpu.memory_space<semaphore_mem>>
        %dma_start3A_46 = arith.constant 0 : i32
        %dma_start3A_47 = tpu.memref_slice %arg6[%add3A_45, %dma_start3A_46] : memref<327680x16xf32, #tpu.memory_space<hbm>> -> memref<128x16xf32, #tpu.memory_space<hbm>>
        %dma_start3A_48 = arith.constant 0 : i32
        %dma_start3A_49 = tpu.memref_slice %arg6[%add3A_45, %dma_start3A_48] : memref<327680x16xf32, #tpu.memory_space<hbm>> -> memref<128x16xf32, #tpu.memory_space<hbm>>
        tpu.enqueue_dma source(%arg10 : memref<128x16xf32, #tpu.memory_space<vmem>>) target(%dma_start3A_49 : memref<128x16xf32, #tpu.memory_space<hbm>>) target_semaphore(%run_scoped3A : memref<!tpu.dma_semaphore, #tpu.memory_space<semaphore_mem>>)
        %dma_wait3A_50 = arith.constant 0 : i32
        %dma_wait3A_51 = tpu.memref_slice %arg6[%add3A_45, %dma_wait3A_50] : memref<327680x16xf32, #tpu.memory_space<hbm>> -> memref<128x16xf32, #tpu.memory_space<hbm>>
        %dma_wait3A_52 = arith.constant 0 : i32
        %dma_wait3A_53 = tpu.memref_slice %arg6[%add3A_45, %dma_wait3A_52] : memref<327680x16xf32, #tpu.memory_space<hbm>> -> memref<128x16xf32, #tpu.memory_space<hbm>>
        tpu.wait_dma2 semaphore(%run_scoped3A : memref<!tpu.dma_semaphore, #tpu.memory_space<semaphore_mem>>) src(%arg10 : memref<128x16xf32, #tpu.memory_space<vmem>>) dst(%dma_wait3A_53 : memref<128x16xf32, #tpu.memory_space<hbm>>)
        tpu.yield
      }) : () -> ()
    }
    %scan3A_12 = arith.constant 80 : i32
    return
  }
}

</mosaic_0001>

<sc_bundles>
// kernel: _sc_gather_pos.3.cloned.1.call-start
scs
__scs_entry_jumppad:
0x0: {  	(pc) =	sbr.rel $0x88, $3  }
0x1: {  	(tag) =	ssettag $0x0;
	lr =	simm.s32 $0x1  }
0x2: {  	[smem:$0x3F9E] =	sst lr;
	_ =	strace $0xD0000000  }
0x3: {  	_ = 	snop  }
0x4: {  	_ = 	snop  }
0x5: {  	_ = 	snop  }
0x6: {  	_ = 	snop  }
0x7: {  	_ = 	snop  }
__scs_overlays_trampoline_lowered:
0x8: {  	[smem:$0x3FAD] =	sst s0  }
0x9: {  	[smem:$0x3FAE] =	sst s1  }
0xa: {  	[smem:$0x3FAF] =	sst s2  }
0xb: {  	[smem:$0x3FB0] =	sst s3  }
0xc: {  	[smem:$0x3FB1] =	sst s4  }
0xd: {  	[smem:$0x3FB2] =	sst s5  }
0xe: {  	[smem:$0x3FB3] =	sst s6  }
0xf: {  	[smem:$0x3FB4] =	sst s7  }
0x10: {  	[smem:$0x3FB5] =	sst s8  }
0x11: {  	[smem:$0x3FB6] =	sst s9;
	s0 =	simm.s32 @!p0 $0x0  }
0x12: {  	s1 =	sld [smem:$0x3F9C];
	s0 =	simm.s32 @p0 $0x1  }
0x13: {  	[smem:$0x3FB7] =	sst s0;
	s0 =	simm.s32 @!p1 $0x0  }
0x14: {  	s2 =	sld [smem:$0x3F9B];
	s0 =	simm.s32 @p1 $0x1  }
0x15: {  	[smem:$0x3FB8] =	sst s0;
	s0 =	simm.s32 @!p2 $0x0  }
0x16: {  	s3 =	sld [smem:$0x3FDB];
	s0 =	simm.s32 @p2 $0x1  }
0x17: {  	s4 =	simm.s32 $0x1BF5;
	[smem:$0x3FBA] =	sst s0  }
0x18: {  	s0 =	sld [smem:$0x3F9D];
	_ =	swait.ge [sflag:s4], $0x0  }
0x19: {  	s7 =	sld [smem:$0x3F9E]  }
0x1a: {  	s8 =	sadd.s32 $0xFFFFE003, lr  }
0x1b: {  	s9 =	sadd.s32 $0xFFFFFEF7, lr;
	s5 =	simm.s32 $0xFFFFFFFF;
	p2 =	slt.u32 s8, $0xFFFFF086  }
0x1c: {  	p1 =	slt.u32 s9, $0xF7A;
	s5 =	simm.s32 @!p2 $0x0  }
0x1d: {  	s5 =	simm.s32 @p1 $0x1;
	p0 =	seq.s32 s7, s2  }
0x1e: {  	s7 =	smul.u32 @!p0 $0xF7A, s2;
	p2 =	seq.s32 @!p0 s5, $0x0  }
0x1f: {  	s9 =	smul.u32 $0xF7A, s1;
	s8 =	simm.s32 @!p0 $0x1BF5;
	p2 =	por !p2, p0  }
0x20: {  	[sflag:s8] =	ssyncset.s32 @!p0 $0xFFFFF086;
	s6 =	sadd.s32 @!p0 s3, s7;
	s7 =	simm.s32 @!p0 $0x108  }
0x21: {  	s3 =	sadd.s32 s3, s9;
	s6 =	sadd.s32 @!p0 $0x88, s6;
	s7 =	simm.s32 @p2 $0x1082  }
0x22: {  	[simem:s7], [sflag:s8] =	dma.local @!p0 [hbm:s6], $0xF7A  }
0x23: {  	s9 =	sor.u32 $0xD0000000, s2;
	s6 =	simm.s32 $0x108;
	_ =	swait.ge @!p0 [sflag:s8], $0x0  }
0x24: {  	s3 =	sadd.s32 $0x88, s3;
	s6 =	simm.s32 @!p1 $0x1082;
	[sflag:s4] =	ssyncset.s32 $0xFFFFF086  }
0x25: {  	[simem:s6], [sflag:s4] =	dma.local [hbm:s3], $0xF7A  }
0x26: {  	[smem:$0x3F9E] =	sst s1;
	(tag) =	ssettag s2;
	_ =	strace s9  }
0x27: {  	s1 =	sld [smem:$0x3FAE]  }
0x28: {  	s2 =	sld [smem:$0x3FAF]  }
0x29: {  	s4 =	sld [smem:$0x3FB1]  }
0x2a: {  	p0 =	seq.s32 s5, $0x0;
	s5 =	sld [smem:$0x3FB2]  }
0x2b: {  	s6 =	sld [smem:$0x3FB3]  }
0x2c: {  	s7 =	sld [smem:$0x3FB4]  }
0x2d: {  	s3 =	simm.s32 $0x108;
	s8 =	sld [smem:$0x3FB5]  }
0x2e: {  	s3 =	simm.s32 @!p0 $0x1082;
	s9 =	sld [smem:$0x3FB6]  }
0x2f: {  	lr =	sadd.s32 s0, s3;
	s0 =	sld [smem:$0x3FAD]  }
0x30: {  	s3 =	sld [smem:$0x3FB0]  }
0x31: {  	[smem:$0x3FB9] =	sst s10  }
0x32: {  	s10 =	sld [smem:$0x3FB7];
	_ =	sdelay $0x3  }
0x33: {  	p0 =	seq.s32 s10, $0x1;
	s10 =	sld [smem:$0x3FB9];
	_ =	sdelay $0x3  }
0x34: {  	[smem:$0x3FB9] =	sst s10  }
0x35: {  	s10 =	sld [smem:$0x3FB8];
	_ =	sdelay $0x3  }
0x36: {  	p1 =	seq.s32 s10, $0x1;
	s10 =	sld [smem:$0x3FB9];
	_ =	sdelay $0x3  }
0x37: {  	[smem:$0x3FB9] =	sst s10  }
0x38: {  	s10 =	sld [smem:$0x3FBA]  }
0x39: {  	_ = 	snop;
	(pc) =	sbr.ind lr, $3  }
0x3a: {  	_ = 	snop  }
0x3b: {  	_ = 	snop  }
0x3c: {  	p2 =	seq.s32 s10, $0x1;
	s10 =	sld [smem:$0x3FB9]  }
0x3d: {  	_ =	shalt  }
0x3e: {  	_ =	shalt  }
0x3f: {  	_ =	shalt  }
0x40: {  	_ =	shalt  }
0x41: {  	_ =	shalt  }
0x42: {  	_ =	shalt  }
0x43: {  	_ =	shalt  }
0x44: {  	_ =	shalt  }
0x45: {  	_ =	shalt  }
0x46: {  	_ =	shalt  }
0x47: {  	_ =	shalt  }
0x48: {  	_ =	shalt  }
0x49: {  	_ =	shalt  }
0x4a: {  	_ =	shalt  }
0x4b: {  	_ =	shalt  }
0x4c: {  	_ =	shalt  }
0x4d: {  	_ =	shalt  }
0x4e: {  	_ =	shalt  }
0x4f: {  	_ =	shalt  }
0x50: {  	_ =	shalt  }
0x51: {  	_ =	shalt  }
0x52: {  	_ =	shalt  }
0x53: {  	_ =	shalt  }
0x54: {  	_ =	shalt  }
0x55: {  	_ =	shalt  }
0x56: {  	_ =	shalt  }
0x57: {  	_ =	shalt  }
0x58: {  	_ =	shalt  }
0x59: {  	_ =	shalt  }
0x5a: {  	_ =	shalt  }
0x5b: {  	_ =	shalt  }
0x5c: {  	_ =	shalt  }
0x5d: {  	_ =	shalt  }
0x5e: {  	_ =	shalt  }
0x5f: {  	_ =	shalt  }
0x60: {  	_ =	shalt  }
0x61: {  	_ =	shalt  }
0x62: {  	_ =	shalt  }
0x63: {  	_ =	shalt  }
0x64: {  	_ =	shalt  }
0x65: {  	_ =	shalt  }
0x66: {  	_ =	shalt  }
0x67: {  	_ =	shalt  }
0x68: {  	_ =	shalt  }
0x69: {  	_ =	shalt  }
0x6a: {  	_ =	shalt  }
0x6b: {  	_ =	shalt  }
0x6c: {  	_ =	shalt  }
0x6d: {  	_ =	shalt  }
0x6e: {  	_ =	shalt  }
0x6f: {  	_ =	shalt  }
0x70: {  	_ =	shalt  }
0x71: {  	_ =	shalt  }
0x72: {  	_ =	shalt  }
0x73: {  	_ =	shalt  }
0x74: {  	_ =	shalt  }
0x75: {  	_ =	shalt  }
0x76: {  	_ =	shalt  }
0x77: {  	_ =	shalt  }
0x78: {  	_ =	shalt  }
0x79: {  	_ =	shalt  }
0x7a: {  	_ =	shalt  }
0x7b: {  	_ =	shalt  }
0x7c: {  	_ =	shalt  }
0x7d: {  	_ =	shalt  }
0x7e: {  	_ =	shalt  }
0x7f: {  	_ =	shalt  }
0x80: {  	_ =	shalt  }
0x81: {  	_ =	shalt  }
0x82: {  	_ =	shalt  }
0x83: {  	_ =	shalt  }
0x84: {  	_ =	shalt  }
0x85: {  	_ =	shalt  }
0x86: {  	_ =	shalt  }
0x87: {  	_ =	shalt  }
.Lfunc_end0:
.L_simem_size_0:
called_computation_lowered:
.L_overlay_start_0:
0x88: {  	s2 =	sld [smem:$0x3FD9]  }
0x89: {  	s3 =	sld [smem:$0x3FFE];
	_ =	sdelay $0x1  }
0x8a: {  	s1 =	srdreg.scid  }
0x8b: {  	s0 =	sand.u32 $0x1, s1  }
0x8c: {  	s14 =	sshll.u32 s0, $0xA;
	s2 =	sadd.s32 s3, s2  }
0x8d: {  	s2 =	sadd.s32 s2, s14  }
0x8e: {  	[smem:$0x3FC5] =	sst s2  }
0x8f: {  	_ = 	snop  }
0x90: {  	s2 =	sld [smem:$0x3FD0];
	_ =	sdelay $0x1  }
0x91: {  	s15 =	sld [smem:$0x3FC8]  }
0x92: {  	s5 =	simm.s32 $0xA;
	s6 =	simm.s32 $0x10;
	s4 =	sld [smem:$0x3FC7]  }
0x93: {  	[smem:s6], [sflag:s5] =	dma.local [hbm:s2], $0x1  }
0x94: {  	_ =	swait.eq [sflag:s5], $0x1  }
0x95: {  	[sflag:s5] =	ssyncset.done $0x0  }
0x96: {  	s16 =	sld [smem:$0x10];
	[sflag:s5] =	ssyncadd.s32 $0xFFFFFFFF  }
0x97: {  	s17 =	sld [smem:$0x11];
	(tm) =	ssettm $0x1  }
0x98: {  	s18 =	sld [smem:$0x3FFB];
	_ =	sdelay $0x3  }
0x99: {  	_ =	strace s18  }
0x9a: {  	s6 =	sld [smem:$0x3FFC];
	_ =	sdelay $0x3  }
0x9b: {  	_ =	strace s6  }
0x9c: {  	s6 =	sld [smem:$0x3FFD];
	_ =	sdelay $0x3  }
0x9d: {  	_ =	strace s6  }
0x9e: {  	_ =	strace $0x8FFFFFFF  }
0x9f: {  	s19 =	sld [smem:$0x3FDB];
	_ =	sdelay $0x1  }
0xa0: {  	s7 =	simm.s32 $_scs_section_size  }
0xa1: {  	s8 =	simm.s32 $_size__tile_overlayer_lowered;
	s9 =	simm.s32 $_tile_overlayer_lowered  }
0xa2: {  	s22 =	simm.s32 $0x1BFF;
	s21 =	sshll.u32 s9, $0x1;
	s6 =	sadd.s32 s7, s19  }
0xa3: {  	s10 =	simm.s32 $0x0;
	s20 =	sshll.u32 s8, $0x1;
	s8 =	sadd.s32 s21, s6  }
0xa4: {  	[timem:s10], [sflag:s22] =	dma.local [hbm:s8], s20  }
0xa5: {  	_ =	swait.ge [sflag:s22], s20  }
0xa6: {  	s7 =	ssub.s32 $0x0, s20;
	[sflag:s22] =	ssyncset.done $0x0  }
0xa7: {  	[sflag:s22] =	ssyncadd.s32 s7;
	_ =	sdelay $0x1  }
0xa8: {  	s23 =	simm.s32 $0x1B8B  }
0xa9: {  	_ =	swait.ge [sflag:s23], $0x1  }
0xaa: {  	[sflag:s23] =	ssyncset.done $0x0  }
0xab: {  	s25 =	simm.s32 $0x1B8E;
	s24 =	sld [smem:$0x3FFE];
	[sflag:s23] =	ssyncadd.s32 $0xFFFFFFFF  }
0xac: {  	s26 =	simm.s32 $execute0_lowered;
	[smem:$0x3FD2] =	sst s25  }
0xad: {  	s8 =	sshll.u32 s26, $0x1;
	_ =	strace $0x80000046;
	[dreg:$0x1] =	wrdreg $0xFFFFFFFF  }
0xae: {  	s28 =	simm.s32 $_size_execute0_lowered;
	s6 =	sadd.s32 s6, s8;
	[dreg:$0x0] =	wrdreg $0x0  }
0xaf: {  	s8 =	sshll.u32 s28, $0x1;
	[dreg:$0x2] =	wrdreg s6  }
0xb0: {  	[dreg:$0x3] =	wrdreg s8  }
0xb1: {  	[dreg:$0x4] =	wrdreg $0xC0  }
0xb2: {  	_ =	task [dreg:s10], $0x5FFFF  }
0xb3: {  	[dreg:$0x1] =	wrdreg $0xFFFFFFFF  }
0xb4: {  	[dreg:$0x0] =	wrdreg $0x60  }
0xb5: {  	[dreg:$0x2] =	wrdreg s24  }
0xb6: {  	[dreg:$0x3] =	wrdreg s15  }
0xb7: {  	[dreg:$0x4] =	wrdreg s4  }
0xb8: {  	[dreg:$0x5] =	wrdreg s16  }
0xb9: {  	[dreg:$0x6] =	wrdreg s17  }
0xba: {  	[dreg:$0x7] =	wrdreg $0x9  }
0xbb: {  	_ =	task.clear_ibuf [dreg:s10], $0x8FFFF;
	_ =	strace $0x90000046  }
0xbc: {  	s29 =	simm.s32 $0x9;
	_ =	strace $0x80000048  }
0xbd: {  	_ =	swait.ge [sflag:s29], $0x1  }
0xbe: {  	[sflag:s29] =	ssyncadd.s32 $0xFFFFFFFF  }
0xbf: {  	_ =	strace $0x90000048  }
0xc0: {  	_ =	sfence  }
0xc1: {  	s30 =	sld [smem:$0x0];
	_ =	sdelay $0x2  }
0xc2: {  	s31 =	sshll.u32 s1, $0xD;
	s1 =	sshrl.u32 s1, $0x2  }
0xc3: {  	s3 =	sand.u32 $0x4000, s31;
	s1 =	sadd.s32 s1, s30  }
0xc4: {  	s0 =	sor.u32 s3, s0;
	s1 =	sshll.u32 s1, $0x11  }
0xc5: {  	s0 =	sor.u32 s1, s0  }
0xc6: {  	s0 =	sadd.s32 $0x8F2B, s0  }
0xc7: {  	[sflag:s0] =	ssyncadd.remote.s32 $0x1  }
0xc8: {  	_ =	sfence.sel $0xFFFF  }
0xc9: {  	[dreg:$0x0] =	wrdreg $0xFFFFFFFF;
	(pc) =	sbr.abs _section_cstart, $3  }
0xca: {  	[dreg:$0x1] =	wrdreg $0xFFFFFFFF  }
0xcb: {  	_ =	task.clear_ibuf [dreg:s10], $0x2FFFF;
	_ =	strace $0x9FFFFFFF  }
0xcc: {  	(tm) =	ssettm $0x7FFFFFFF  }
0xcd: {  	_ =	shalt  }
tec
execute0_lowered:
.L_overlay_start_1:
0x0: {  	(tag) =	ssettag $0x1  }
0x1: {  	s3 =	rddreg [dreg:$0x0]  }
0x2: {  	s4 =	rddreg [dreg:$0x1]  }
0x3: {  	s5 =	rddreg [dreg:$0x2]  }
0x4: {  	s7 =	rddreg [dreg:$0x3]  }
0x5: {  	s8 =	rddreg [dreg:$0x4]  }
0x6: {  	s1 =	srdreg.scid;
	s0 =	rddreg [dreg:$0x5];
	s2 =	simm.s32 $0x0  }
0x7: {  	s12 =	simm.s32 $0x5800;
	s13 =	simm.s32 $0x1;
	s14 =	simm.s32 $0x2  }
0x8: {  	s15 =	simm.s32 $0x0;
	s6 =	sand.u32 $0x1, s1;
	s1 =	stileid.u32  }
0x9: {  	[smem:$0x7FF] =	sst s2;
	s3 =	sadd.s32 $0xA00, s3;
	s9 =	sshll.u32 s6, $0x4  }
0xa: {  	s10 =	ssub.s32 $0x2, s6;
	_ =	strace $0x80000047;
	s29 =	smul.u32 $0x50000, s6  }
0xb: {  	s30 =	smul.u32 $0x5000, s1;
	s9 =	sor.u32 s1, s9;
	s11 =	sshrl.u32 s10, $0x1  }
0xc: {  	s9 =	smul.u32 $0x500, s9;
	s10 =	ssub.s32 s10, s11;
	s8 =	sadd.s32 s29, s8  }
0xd: {  	s31 =	sadd.s32 s29, s7;
	s11 =	simm.s32 $0x5000;
	s6 =	smax.u32 s10, $0x1  }
0xe: {  	s7 =	sadd.s32 s30, s8;
	s8 =	sadd.s32 s30, s31;
	s10 =	simm.s32 $0x80  }
0xf: {  	s4 =	sadd.s32 s4, s9;
	s5 =	sadd.s32 s5, s9;
	s9 =	simm.s32 $0x3  }
.LBB2_1:
0x10: {  	[tilespmem:s2], [sflag:$0x3] =	stream.linear.gather [hbm4b:s4+s2], $0x2800, $0x38;
	[tilespmem:$0x6000] =	vst v63  }
0x11: {  	_ =	swait.ge [sflag:s9], $0x2800  }
0x12: {  	[sflag:s9] =	ssyncset.done $0x0  }
0x13: {  	s16 =	simm.s32 $0x2800;
	[sflag:s9] =	ssyncadd.s32 $0xFFFFD800  }
0x14: {  	[tilespmem:s16], [sflag:$0x3] =	stream.linear.gather [hbm4b:s5+s2], $0x2800, $0x38;
	[tilespmem:$0x6000] =	vst v63  }
0x15: {  	_ =	swait.ge [sflag:s9], $0x2800  }
0x16: {  	[sflag:s9] =	ssyncset.done $0x0  }
0x17: {  	[sflag:s9] =	ssyncadd.s32 $0xFFFFD800  }
0x18: {  	[tilespmem:s11], [sflag:$0x1] =	stream.indirect.gather [hbm4b:s3+s10], $0x10, s2, s10, $0xb8;
	[tilespmem:$0x6000] =	vst v63  }
0x19: {  	_ = 	snop  }
0x1a: {  	[tilespmem:s12], [sflag:$0x2] =	stream.indirect.gather [hbm4b:s3+s10], $0x10, s16, s10, $0xb8;
	[tilespmem:$0x6000] =	vst v63  }
0x1b: {  	_ =	swait.ge [sflag:s13], $0x800  }
0x1c: {  	[sflag:s13] =	ssyncset.done $0x0  }
0x1d: {  	[sflag:s13] =	ssyncadd.s32 $0xFFFFF800  }
0x1e: {  	_ =	swait.ge [sflag:s14], $0x800  }
0x1f: {  	[sflag:s14] =	ssyncset.done $0x0  }
0x20: {  	s17 =	sadd.s32 $0x0, s8;
	[sflag:s14] =	ssyncadd.s32 $0xFFFFF800  }
0x21: {  	[hbm4b:s17+s2] =	stream.linear.scatter [tilespmem:s11], [sflag:$0x3], $0x800, $0x38;
	[tilespmem:$0x6000] =	vst v63  }
0x22: {  	_ =	swait.ge [sflag:s9], $0x800  }
0x23: {  	[sflag:s9] =	ssyncset.done $0x0  }
0x24: {  	s31 =	sadd.s32 $0x0, s7;
	[sflag:s9] =	ssyncadd.s32 $0xFFFFF800  }
0x25: {  	[hbm4b:s31+s2] =	stream.linear.scatter [tilespmem:s12], [sflag:$0x3], $0x800, $0x38;
	[tilespmem:$0x6000] =	vst v63  }
0x26: {  	_ =	swait.ge [sflag:s9], $0x800  }
0x27: {  	s18 =	simm.s32 $0x0;
	s17 =	simm.s32 $0x100;
	[sflag:s9] =	ssyncset.done $0x0  }
.LBB2_2:
0x28: {  	[sflag:s9] =	ssyncadd.s32 $0xFFFFF800;
	s18 =	sadd.s32 $0x80, s18;
	s16 =	sadd.s32 $0x80, s16  }
0x29: {  	[tilespmem:s11], [sflag:$0x1] =	stream.indirect.gather [hbm4b:s3+s10], $0x10, s18, s10, $0xb8;
	[tilespmem:$0x6000] =	vst v63  }
0x2a: {  	p0 =	sne.s32 s17, $0x4F00;
	s19 =	smov.u32 s17;
	s17 =	sadd.s32 $0x100, s17  }
0x2b: {  	[tilespmem:s12], [sflag:$0x2] =	stream.indirect.gather [hbm4b:s3+s10], $0x10, s16, s10, $0xb8;
	[tilespmem:$0x6000] =	vst v63  }
0x2c: {  	_ =	swait.ge [sflag:s13], $0x800  }
0x2d: {  	[sflag:s13] =	ssyncset.done $0x0  }
0x2e: {  	[sflag:s13] =	ssyncadd.s32 $0xFFFFF800  }
0x2f: {  	_ =	swait.ge [sflag:s14], $0x800  }
0x30: {  	[sflag:s14] =	ssyncset.done $0x0  }
0x31: {  	s20 =	sadd.s32 s19, s8;
	[sflag:s14] =	ssyncadd.s32 $0xFFFFF800  }
0x32: {  	[hbm4b:s20+s2] =	stream.linear.scatter [tilespmem:s11], [sflag:$0x3], $0x800, $0x38;
	[tilespmem:$0x6000] =	vst v63  }
0x33: {  	_ =	swait.ge [sflag:s9], $0x800  }
.Ltmp0:
0x34: {  	[sflag:s9] =	ssyncset.done $0x0;
	(pc) =	sbr.rel @p0 .LBB2_2-.Ltmp0, $4  }
0x35: {  	s19 =	sadd.s32 s19, s7;
	[sflag:s9] =	ssyncadd.s32 $0xFFFFF800  }
0x36: {  	[hbm4b:s19+s2] =	stream.linear.scatter [tilespmem:s12], [sflag:$0x3], $0x800, $0x38;
	[tilespmem:$0x6000] =	vst v63  }
0x37: {  	_ =	swait.ge [sflag:s9], $0x800  }
0x38: {  	[sflag:s9] =	ssyncset.done $0x0  }
0x39: {  	s15 =	sadd.s32 $0x1, s15  }
0x3a: {  	p0 =	sne.s32 s15, s6  }
.Ltmp1:
0x3b: {  	_ = 	snop;
	(pc) =	sbr.rel @p0 .LBB2_1-.Ltmp1, $2  }
0x3c: {  	_ =	sdelay $0x2  }
0x3d: {  	[sflag:s9] =	ssyncadd.s32 $0xFFFFF800  }
0x3e: {  	_ =	sfence.sel $0x180000  }
0x3f: {  	[bflag:$0x0] =	sbarrier.arrive $0xFFFF  }
0x40: {  	p0 =	sne.s32 s1, $0x0;
	_ =	strace $0x90000047  }
0x41: {  	s0 =	sadd.s32 @!p0 $0x100000, s0;
	[bflag:$0x2] =	sbarrier.arrive $0xFFFF  }
0x42: {  	[sflag:s0] =	ssyncadd.tile.s32 @!p0 $0x1;
	_ =	shalt  }
.Lfunc_end2:
_tile_overlayer_lowered:
.L_overlay_start_2:
0x43: {  	(tag) =	ssettag $0x2  }
0x44: {  	s0 =	rddreg [dreg:$0x0];
	s2 =	stileid.u32  }
0x45: {  	s1 =	rddreg [dreg:$0x1];
	p0 =	sne.s32 s2, $0x0  }
0x46: {  	s3 =	rddreg [dreg:$0x2];
	[bflag:$0x3] =	sbarrier.arrive $0xFFFF;
	s2 =	simm.s32 @!p0 $0x1C03  }
0x47: {  	[timem:s3], [sflag:s2] =	dma.local @!p0 [hbm:s0], s1  }
0x48: {  	s0 =	simm.s32 @!p0 $0x3  }
0x49: {  	_ =	swait.ge @!p0 [sflag:s0], s1  }
0x4a: {  	s1 =	ssub.s32 @!p0 $0x0, s1;
	[sflag:s0] =	ssyncset.done @!p0 $0x0  }
0x4b: {  	[sflag:s0] =	ssyncadd.s32 @!p0 s1  }
0x4c: {  	[bflag:$0x3] =	sbarrier.arrive $0xFFFF  }
0x4d: {  	_ =	shalt  }

</sc_bundles>
